<compile_context>
chip_gen: v7x
topology: tpu7x:2x2x1
jax: 0.10.2.dev20260603
libtpu: 0.0.44.dev20260713+nightly
codegen_flags: <defaults>
</compile_context>

<pallas_src>
import dataclasses
import functools

import jax
import jax.numpy as jnp
from jax import lax
from jax.experimental import pallas as pl
from jax.experimental.pallas import tpu as pltpu
from jax.experimental.pallas import tpu_sc as plsc

NS = 16
LANES = 16
NPAD = 10240
HR, HC = 80, 128
NPARTS = 4
COVER = 2560

_mesh1 = dict(core_axis_name="c", subcore_axis_name="s", num_cores=1)


@jax.jit
def _sc_degree(dst3d):
    _, nch, ch = dst3d.shape
    mesh = plsc.VectorSubcoreMesh(**_mesh1)
    cp = dataclasses.replace(pltpu.CompilerParams(),
                             needs_layout_passes=False)

    @functools.partial(
        pl.kernel, out_type=jax.ShapeDtypeStruct((NS, HR, HC), jnp.float32),
        mesh=mesh, compiler_params=cp,
        scratch_types=[pltpu.VMEM((1, nch, ch), jnp.int32),
                       pltpu.VMEM((1, HR, HC), jnp.float32)])
    def run(dst_hbm, cnt_hbm, dstv, hist):
        s = lax.axis_index("s")

        @pl.loop(0, HR)
        def _(r):
            @pl.loop(0, HC, step=LANES)
            def _(k):
                hist.at[0, r, pl.ds(k, LANES)][...] = jnp.zeros(
                    (LANES,), jnp.float32)

        pltpu.sync_copy(dst_hbm.at[pl.ds(s, 1)], dstv)

        ones16 = jnp.ones((LANES,), jnp.float32)
        zeros16 = jnp.zeros((LANES,), jnp.int32)

        @pl.loop(0, nch)
        def _(i):
            @pl.loop(0, ch, step=LANES)
            def _(k):
                idx16 = dstv.at[0, i, pl.ds(k, LANES)][...]
                r16 = lax.shift_right_logical(idx16, 7)
                c16 = lax.bitwise_and(idx16, 127)
                plsc.addupdate_scatter(hist, [zeros16, r16, c16], ones16)

        pltpu.sync_copy(hist, cnt_hbm.at[pl.ds(s, 1)])

    return run(dst3d)


@jax.jit
def _sc_localize(dst3d):
    _, nch, ch = dst3d.shape
    mesh = plsc.VectorSubcoreMesh(**_mesh1)

    @functools.partial(
        pl.kernel,
        out_type=jax.ShapeDtypeStruct((NPARTS, NS, nch, ch), jnp.int32),
        mesh=mesh,
        scratch_types=[pltpu.VMEM((nch, ch), jnp.int32),
                       pltpu.VMEM((nch, ch), jnp.int32)])
    def run(dst_hbm, ldst_hbm, dstv, ldstv):
        s = lax.axis_index("s")
        pltpu.sync_copy(dst_hbm.at[s], dstv)

        for h in range(NPARTS):
            off = h * COVER

            @pl.loop(0, nch)
            def _(i):
                @pl.loop(0, ch, step=LANES)
                def _(k):
                    dv = dstv.at[i].at[pl.ds(k, LANES)][...]
                    lv = dv - off
                    ok = (lv >= 0) & (lv < COVER)
                    ldstv.at[i].at[pl.ds(k, LANES)][...] = jnp.where(
                        ok, lv, COVER)

            pltpu.sync_copy(ldstv, ldst_hbm.at[h, s])

    return run(dst3d)


@jax.jit
def _sc_part_segment_sum(x, src3d, ldst2):
    _, d = x.shape
    _, nch, ch = src3d.shape
    rows_sub = COVER // NS
    zr = rows_sub // 4
    arows = COVER + 8
    mesh = plsc.VectorSubcoreMesh(core_axis_name="c", subcore_axis_name="s")

    scratch = [
        pltpu.VMEM((nch, ch), jnp.int32),
        pltpu.VMEM((nch, ch), jnp.int32),
        pltpu.VMEM((ch, d), jnp.float32),
        pltpu.VMEM((ch, d), jnp.float32),
        pltpu.VMEM((zr, d), jnp.float32),
        pltpu.VMEM_SHARED((arows, d), jnp.float32),
        pltpu.SemaphoreType.DMA,
        pltpu.SemaphoreType.DMA,
    ]

    @functools.partial(
        pl.kernel, out_type=jax.ShapeDtypeStruct((2, COVER, d), jnp.float32),
        mesh=mesh, scratch_types=scratch)
    def run(x_hbm, src_hbm, ldst_hbm, out_hbm, srcv, ldstv, bufa, bufb,
            zbuf, acc, sema, semb):
        c = lax.axis_index("c")
        s = lax.axis_index("s")

        @pl.loop(0, zr)
        def _(i):
            @pl.loop(0, d, step=LANES)
            def _(j):
                zbuf.at[i, pl.ds(j, LANES)][...] = jnp.zeros(
                    (LANES,), jnp.float32)

        r0 = s * rows_sub
        for k in range(4):
            pltpu.sync_copy(zbuf, acc.at[pl.ds(r0 + k * zr, zr)])

        pltpu.sync_copy(src_hbm.at[s], srcv)
        pltpu.sync_copy(ldst_hbm.at[c, s], ldstv)
        plsc.subcore_barrier()

        pltpu.async_copy(x_hbm.at[srcv.at[0]], bufa, sema)
        pltpu.async_copy(x_hbm.at[srcv.at[1]], bufb, semb)

        @pl.loop(0, nch, step=2)
        def _(j):
            pltpu.make_async_copy(x_hbm.at[srcv.at[j]], bufa, sema).wait()
            pltpu.sync_copy(bufa, acc.at[ldstv.at[j]], add=True)

            @pl.when(j + 2 < nch)
            def _():
                pltpu.async_copy(x_hbm.at[srcv.at[j + 2]], bufa, sema)

            pltpu.make_async_copy(x_hbm.at[srcv.at[j + 1]], bufb, semb).wait()
            pltpu.sync_copy(bufb, acc.at[ldstv.at[j + 1]], add=True)

            @pl.when(j + 3 < nch)
            def _():
                pltpu.async_copy(x_hbm.at[srcv.at[j + 3]], bufb, semb)

        plsc.subcore_barrier()
        pltpu.sync_copy(acc.at[pl.ds(r0, rows_sub)],
                        out_hbm.at[c, pl.ds(r0, rows_sub)])

    return run(x, src3d, ldst2)


def _tc_sum_counts(cnts):
    def body(c_ref, o_ref):
        o_ref[...] = jnp.sum(c_ref[...], axis=0)

    return pl.pallas_call(
        body,
        out_shape=jax.ShapeDtypeStruct((HR, HC), jnp.float32),
    )(cnts)


def _combine(yp, cnt_col, x_in, w_l, b_l2, w_r, relu_flag):
    n, d = x_in.shape
    bt = 1000

    def body(yp_ref, cnt_ref, x_ref, wl_ref, bl_ref, wr_ref, fl_ref, o_ref):
        cn = cnt_ref[...]
        rc = 1.0 / jnp.maximum(cn, 1.0)
        mask = jnp.minimum(cn, 1.0)
        h = jnp.dot(yp_ref[...], wl_ref[...],
                    preferred_element_type=jnp.float32) * rc
        h = h + mask * bl_ref[...]
        h = h + jnp.dot(x_ref[...], wr_ref[...],
                        preferred_element_type=jnp.float32)
        h = jnp.where(fl_ref[0, 0] > 0.5, jnp.maximum(h, 0.0), h)
        o_ref[...] = h

    return pl.pallas_call(
        body,
        grid=(n // bt,),
        in_specs=[
            pl.BlockSpec((bt, d), lambda i: (i, 0)),
            pl.BlockSpec((bt, 1), lambda i: (i, 0)),
            pl.BlockSpec((bt, d), lambda i: (i, 0)),
            pl.BlockSpec((d, d), lambda i: (0, 0)),
            pl.BlockSpec((1, d), lambda i: (0, 0)),
            pl.BlockSpec((d, d), lambda i: (0, 0)),
            pl.BlockSpec((1, 1), lambda i: (0, 0)),
        ],
        out_specs=pl.BlockSpec((bt, d), lambda i: (i, 0)),
        out_shape=jax.ShapeDtypeStruct((n, d), jnp.float32),
    )(yp, cnt_col, x_in, w_l, b_l2, w_r, relu_flag)


def kernel(x, edges, W_l0, b_l0, W_r0, W_l1, b_l1, W_r1):
    n, d = x.shape
    e = edges.shape[1]
    ch = 80
    nch = e // (NS * ch)
    src3d = edges[0].reshape(NS, nch, ch)
    dst3d = edges[1].reshape(NS, nch, ch)

    relu_on = jnp.full((1, 1), 1.0, jnp.float32)
    relu_off = jnp.full((1, 1), 0.0, jnp.float32)

    cnts = _sc_degree(dst3d)
    cnt_col = _tc_sum_counts(cnts).reshape(NPAD, 1)
    ldst = _sc_localize(dst3d)

    def layer(xc, w_l, b_l, w_r, flag):
        y01 = _sc_part_segment_sum(xc, src3d, ldst[0:2])
        y23 = _sc_part_segment_sum(xc, src3d, ldst[2:4])
        y = jnp.concatenate([y01[0], y01[1], y23[0], y23[1]], axis=0)[:n]
        return _combine(y, cnt_col[:n], xc, w_l, b_l.reshape(1, d), w_r,
                        flag)

    out1 = layer(x, W_l0, b_l0, W_r0, relu_on)
    out = layer(out1, W_l1, b_l1, W_r1, relu_off)
    return out

# --- scband reference (transcript-rebuilt; emitter-appended) ---
"""Pipeline reference for scband-gnn-7318624272618 (READ-ONLY COPY).

The authoritative reference and input builder live on the scoring server;
editing this copy changes nothing except your own understanding.
"""

import jax, jax.numpy as jnp
import numpy as np

N = 10000
E = 320000
D = 128


def setup_inputs(seed: int = 0) -> dict:
    key = jax.random.key(seed)
    ks = jax.random.split(key, 10)
    x = jax.random.normal(ks[0], (N, D), dtype=jnp.float32)
    edges = jax.random.randint(ks[1], (2, E), 0, N, dtype=jnp.int32)
    scale = 1.0 / np.sqrt(D)
    W_l0 = jax.random.uniform(ks[2], (D, D), jnp.float32, -scale, scale)
    b_l0 = jax.random.uniform(ks[3], (D,), jnp.float32, -scale, scale)
    W_r0 = jax.random.uniform(ks[4], (D, D), jnp.float32, -scale, scale)
    W_l1 = jax.random.uniform(ks[5], (D, D), jnp.float32, -scale, scale)
    b_l1 = jax.random.uniform(ks[6], (D,), jnp.float32, -scale, scale)
    W_r1 = jax.random.uniform(ks[7], (D, D), jnp.float32, -scale, scale)
    return {"x": x, "edges": edges, "W_l0": W_l0, "b_l0": b_l0, "W_r0": W_r0,
            "W_l1": W_l1, "b_l1": b_l1, "W_r1": W_r1}


def _sage_conv(x, edges, W_l, b_l, W_r):
    # SAGEConv with aggr='mean': out = mean_{j in N(i)} lin_l(x_j) + lin_r(x_i)
    h = x @ W_l + b_l
    src = edges[0]
    dst = edges[1]
    msg = jnp.take(h, src, axis=0)  # gather source features
    summed = jax.ops.segment_sum(msg, dst, num_segments=N)
    cnt = jax.ops.segment_sum(jnp.ones((edges.shape[1],), jnp.float32), dst, num_segments=N)
    agg = summed / jnp.maximum(cnt, 1.0)[:, None]
    return agg + x @ W_r


def reference(x, edges, W_l0, b_l0, W_r0, W_l1, b_l1, W_r1):
    # GNN.forward with num_layers=2, conv='sage' (dropout in eval mode = identity)
    out = _sage_conv(x, edges, W_l0, b_l0, W_r0)
    out = jax.nn.relu(out)
    # i == 0 so no residual add on first layer per original code
    out = _sage_conv(out, edges, W_l1, b_l1, W_r1)
    return out

if __name__ == "__main__":
    import jax
    _d = setup_inputs()
    print(jax.jit(kernel)(*tuple(_d.values())))

</pallas_src>

<mosaic_0001>
#map = affine_map<(d0, d1) -> (0, 0, 0)>
module attributes {stable_mosaic.version = 14 : i64} {
  func.func @run(%arg0: i32, %arg1: i32, %arg2: memref<16x250x80xi32, #tpu.memory_space<hbm>>, %arg3: memref<16x80x128xf32, #tpu.memory_space<hbm>>, %arg4: memref<1x250x80xi32, #tpu.memory_space<vmem>>, %arg5: memref<1x80x128xf32, #tpu.memory_space<vmem>>) attributes {dimension_semantics = [#tpu.dimension_semantics<core_parallel>, #tpu.dimension_semantics<subcore_parallel>], iteration_bounds = array<i64: 1, 16>, scalar_prefetch = 0 : i64, scratch_operands = 2 : i64, tpu.core_type = #tpu.core_type<sc_vector_subcore>, window_params = [{transform_indices = #map}, {transform_indices = #map}]} {
    %scan3A = arith.constant 0 : i32
    %scan3A_0 = arith.constant 80 : i32
    %scan3A_1 = arith.addi %scan3A, %scan3A_0 : i32
    %scan3A_2 = arith.constant 1 : i32
    scf.for %scan3A_12 = %scan3A to %scan3A_1 step %scan3A_2  : i32 {
      %mul3A = arith.constant 1 : i32
      %mul3A_13 = arith.muli %scan3A_12, %mul3A : i32
      %add3A = arith.constant 0 : i32
      %add3A_14 = arith.addi %add3A, %mul3A_13 : i32
      %scan3A_15 = arith.constant 0 : i32
      %scan3A_16 = arith.constant 8 : i32
      %scan3A_17 = arith.addi %scan3A_15, %scan3A_16 : i32
      %scan3A_18 = arith.constant 1 : i32
      scf.for %scan3A_20 = %scan3A_15 to %scan3A_17 step %scan3A_18  : i32 {
        %mul3A_21 = arith.constant 16 : i32
        %mul3A_22 = arith.muli %scan3A_20, %mul3A_21 : i32
        %add3A_23 = arith.constant 0 : i32
        %add3A_24 = arith.addi %add3A_23, %mul3A_22 : i32
        %broadcast_in_dim3A_25 = arith.constant 0.000000e+00 : f32
        %broadcast_in_dim3A_26 = vector.broadcast %broadcast_in_dim3A_25 : f32 to vector<16xf32>
        %swap3A = arith.constant 0 : i32
        %swap3A_27 = arith.index_cast %swap3A : i32 to index
        %swap3A_28 = arith.index_cast %add3A_14 : i32 to index
        %swap3A_29 = arith.index_cast %add3A_24 : i32 to index
        %swap3A_30 = tpu.vector_load %arg5[%swap3A_27, %swap3A_28, %swap3A_29] {strides = array<i32>} : memref<1x80x128xf32, #tpu.memory_space<vmem>>, vector<16xf32>,
        tpu.vector_store %arg5[%swap3A_27, %swap3A_28, %swap3A_29], %broadcast_in_dim3A_26 {strides = array<i32>} : memref<1x80x128xf32, #tpu.memory_space<vmem>>, vector<16xf32>,
      }
      %scan3A_19 = arith.constant 8 : i32
    }
    %scan3A_3 = arith.constant 80 : i32
    "tpu.region"() ({
      %run_scoped3A = tpu.sem_alloc : memref<!tpu.dma_semaphore, #tpu.memory_space<semaphore_mem>>
      %dma_start3A = arith.constant 0 : i32
      %dma_start3A_12 = arith.constant 0 : i32
      %dma_start3A_13 = tpu.memref_slice %arg2[%arg1, %dma_start3A, %dma_start3A_12] : memref<16x250x80xi32, #tpu.memory_space<hbm>> -> memref<1x250x80xi32, #tpu.memory_space<hbm>>
      %dma_start3A_14 = arith.constant 0 : i32
      %dma_start3A_15 = arith.constant 0 : i32
      %dma_start3A_16 = tpu.memref_slice %arg2[%arg1, %dma_start3A_14, %dma_start3A_15] : memref<16x250x80xi32, #tpu.memory_space<hbm>> -> memref<1x250x80xi32, #tpu.memory_space<hbm>>
      tpu.enqueue_dma source(%dma_start3A_16 : memref<1x250x80xi32, #tpu.memory_space<hbm>>) target(%arg4 : memref<1x250x80xi32, #tpu.memory_space<vmem>>) target_semaphore(%run_scoped3A : memref<!tpu.dma_semaphore, #tpu.memory_space<semaphore_mem>>)
      %dma_wait3A = arith.constant 0 : i32
      %dma_wait3A_17 = arith.constant 0 : i32
      %dma_wait3A_18 = tpu.memref_slice %arg2[%arg1, %dma_wait3A, %dma_wait3A_17] : memref<16x250x80xi32, #tpu.memory_space<hbm>> -> memref<1x250x80xi32, #tpu.memory_space<hbm>>
      %dma_wait3A_19 = arith.constant 0 : i32
      %dma_wait3A_20 = arith.constant 0 : i32
      %dma_wait3A_21 = tpu.memref_slice %arg2[%arg1, %dma_wait3A_19, %dma_wait3A_20] : memref<16x250x80xi32, #tpu.memory_space<hbm>> -> memref<1x250x80xi32, #tpu.memory_space<hbm>>
      tpu.wait_dma2 semaphore(%run_scoped3A : memref<!tpu.dma_semaphore, #tpu.memory_space<semaphore_mem>>) src(%dma_wait3A_21 : memref<1x250x80xi32, #tpu.memory_space<hbm>>) dst(%arg4 : memref<1x250x80xi32, #tpu.memory_space<vmem>>)
      tpu.yield
    }) : () -> ()
    %broadcast_in_dim3A = arith.constant 1.000000e+00 : f32
    %broadcast_in_dim3A_4 = vector.broadcast %broadcast_in_dim3A : f32 to vector<16xf32>
    %broadcast_in_dim3A_5 = arith.constant 0 : i32
    %broadcast_in_dim3A_6 = vector.broadcast %broadcast_in_dim3A_5 : i32 to vector<16xi32>
    %scan3A_7 = arith.constant 0 : i32
    %scan3A_8 = arith.constant 250 : i32
    %scan3A_9 = arith.addi %scan3A_7, %scan3A_8 : i32
    %scan3A_10 = arith.constant 1 : i32
    scf.for %scan3A_12 = %scan3A_7 to %scan3A_9 step %scan3A_10  : i32 {
      %mul3A = arith.constant 1 : i32
      %mul3A_13 = arith.muli %scan3A_12, %mul3A : i32
      %add3A = arith.constant 0 : i32
      %add3A_14 = arith.addi %add3A, %mul3A_13 : i32
      %scan3A_15 = arith.constant 0 : i32
      %scan3A_16 = arith.constant 5 : i32
      %scan3A_17 = arith.addi %scan3A_15, %scan3A_16 : i32
      %scan3A_18 = arith.constant 1 : i32
      scf.for %scan3A_20 = %scan3A_15 to %scan3A_17 step %scan3A_18  : i32 {
        %mul3A_21 = arith.constant 16 : i32
        %mul3A_22 = arith.muli %scan3A_20, %mul3A_21 : i32
        %add3A_23 = arith.constant 0 : i32
        %add3A_24 = arith.addi %add3A_23, %mul3A_22 : i32
        %get3A = arith.constant 0 : i32
        %get3A_25 = arith.index_cast %get3A : i32 to index
        %get3A_26 = arith.index_cast %add3A_14 : i32 to index
        %get3A_27 = arith.index_cast %add3A_24 : i32 to index
        %get3A_28 = tpu.vector_load %arg4[%get3A_25, %get3A_26, %get3A_27] {strides = array<i32>} : memref<1x250x80xi32, #tpu.memory_space<vmem>>, vector<16xi32>,
        %shift_right_logical3A = arith.constant 7 : i32
        %shift_right_logical3A_29 = vector.broadcast %shift_right_logical3A : i32 to vector<16xi32>
        %shift_right_logical3A_30 = arith.shrui %get3A_28, %shift_right_logical3A_29 : vector<16xi32>
        %and3A = arith.constant 127 : i32
        %and3A_31 = vector.broadcast %and3A : i32 to vector<16xi32>
        %and3A_32 = arith.andi %get3A_28, %and3A_31 : vector<16xi32>
        tpu.vector_store_idx %arg5[%broadcast_in_dim3A_6, %shift_right_logical3A_30, %and3A_32], %broadcast_in_dim3A_4 {add = true} : memref<1x80x128xf32, #tpu.memory_space<vmem>>[vector<16xi32>, vector<16xi32>, vector<16xi32>], vector<16xf32>,
      }
      %scan3A_19 = arith.constant 5 : i32
    }
    %scan3A_11 = arith.constant 250 : i32
    "tpu.region"() ({
      %run_scoped3A = tpu.sem_alloc : memref<!tpu.dma_semaphore, #tpu.memory_space<semaphore_mem>>
      %dma_start3A = arith.constant 0 : i32
      %dma_start3A_12 = arith.constant 0 : i32
      %dma_start3A_13 = tpu.memref_slice %arg3[%arg1, %dma_start3A, %dma_start3A_12] : memref<16x80x128xf32, #tpu.memory_space<hbm>> -> memref<1x80x128xf32, #tpu.memory_space<hbm>>
      %dma_start3A_14 = arith.constant 0 : i32
      %dma_start3A_15 = arith.constant 0 : i32
      %dma_start3A_16 = tpu.memref_slice %arg3[%arg1, %dma_start3A_14, %dma_start3A_15] : memref<16x80x128xf32, #tpu.memory_space<hbm>> -> memref<1x80x128xf32, #tpu.memory_space<hbm>>
      tpu.enqueue_dma source(%arg5 : memref<1x80x128xf32, #tpu.memory_space<vmem>>) target(%dma_start3A_16 : memref<1x80x128xf32, #tpu.memory_space<hbm>>) target_semaphore(%run_scoped3A : memref<!tpu.dma_semaphore, #tpu.memory_space<semaphore_mem>>)
      %dma_wait3A = arith.constant 0 : i32
      %dma_wait3A_17 = arith.constant 0 : i32
      %dma_wait3A_18 = tpu.memref_slice %arg3[%arg1, %dma_wait3A, %dma_wait3A_17] : memref<16x80x128xf32, #tpu.memory_space<hbm>> -> memref<1x80x128xf32, #tpu.memory_space<hbm>>
      %dma_wait3A_19 = arith.constant 0 : i32
      %dma_wait3A_20 = arith.constant 0 : i32
      %dma_wait3A_21 = tpu.memref_slice %arg3[%arg1, %dma_wait3A_19, %dma_wait3A_20] : memref<16x80x128xf32, #tpu.memory_space<hbm>> -> memref<1x80x128xf32, #tpu.memory_space<hbm>>
      tpu.wait_dma2 semaphore(%run_scoped3A : memref<!tpu.dma_semaphore, #tpu.memory_space<semaphore_mem>>) src(%arg5 : memref<1x80x128xf32, #tpu.memory_space<vmem>>) dst(%dma_wait3A_21 : memref<1x80x128xf32, #tpu.memory_space<hbm>>)
      tpu.yield
    }) : () -> ()
    return
  }
}

</mosaic_0001>

<sc_bundles>
// kernel: _sc_degree.3.cloned.1.call-start
scs
__scs_entry_jumppad:
0x0: {  	(pc) =	sbr.rel $0x88, $3  }
0x1: {  	(tag) =	ssettag $0x0;
	lr =	simm.s32 $0x1  }
0x2: {  	[smem:$0x3FA0] =	sst lr;
	_ =	strace $0xD0000000  }
0x3: {  	_ = 	snop  }
0x4: {  	_ = 	snop  }
0x5: {  	_ = 	snop  }
0x6: {  	_ = 	snop  }
0x7: {  	_ = 	snop  }
__scs_overlays_trampoline_lowered:
0x8: {  	[smem:$0x3FAF] =	sst s0  }
0x9: {  	[smem:$0x3FB0] =	sst s1  }
0xa: {  	[smem:$0x3FB1] =	sst s2  }
0xb: {  	[smem:$0x3FB2] =	sst s3  }
0xc: {  	[smem:$0x3FB3] =	sst s4  }
0xd: {  	[smem:$0x3FB4] =	sst s5  }
0xe: {  	[smem:$0x3FB5] =	sst s6  }
0xf: {  	[smem:$0x3FB6] =	sst s7  }
0x10: {  	[smem:$0x3FB7] =	sst s8  }
0x11: {  	[smem:$0x3FB8] =	sst s9;
	s0 =	simm.s32 @!p0 $0x0  }
0x12: {  	s1 =	sld [smem:$0x3F9E];
	s0 =	simm.s32 @p0 $0x1  }
0x13: {  	[smem:$0x3FB9] =	sst s0;
	s0 =	simm.s32 @!p1 $0x0  }
0x14: {  	s2 =	sld [smem:$0x3F9D];
	s0 =	simm.s32 @p1 $0x1  }
0x15: {  	[smem:$0x3FBA] =	sst s0;
	s0 =	simm.s32 @!p2 $0x0  }
0x16: {  	s3 =	sld [smem:$0x3FDB];
	s0 =	simm.s32 @p2 $0x1  }
0x17: {  	s4 =	simm.s32 $0x1BF5;
	[smem:$0x3FBC] =	sst s0  }
0x18: {  	s0 =	sld [smem:$0x3F9F];
	_ =	swait.ge [sflag:s4], $0x0  }
0x19: {  	s7 =	sld [smem:$0x3FA0]  }
0x1a: {  	s8 =	sadd.s32 $0xFFFFE003, lr  }
0x1b: {  	s9 =	sadd.s32 $0xFFFFFEF7, lr;
	s5 =	simm.s32 $0xFFFFFFFF;
	p2 =	slt.u32 s8, $0xFFFFF086  }
0x1c: {  	p1 =	slt.u32 s9, $0xF7A;
	s5 =	simm.s32 @!p2 $0x0  }
0x1d: {  	s5 =	simm.s32 @p1 $0x1;
	p0 =	seq.s32 s7, s2  }
0x1e: {  	s7 =	smul.u32 @!p0 $0xF7A, s2;
	p2 =	seq.s32 @!p0 s5, $0x0  }
0x1f: {  	s9 =	smul.u32 $0xF7A, s1;
	s8 =	simm.s32 @!p0 $0x1BF5;
	p2 =	por !p2, p0  }
0x20: {  	[sflag:s8] =	ssyncset.s32 @!p0 $0xFFFFF086;
	s6 =	sadd.s32 @!p0 s3, s7;
	s7 =	simm.s32 @!p0 $0x108  }
0x21: {  	s3 =	sadd.s32 s3, s9;
	s6 =	sadd.s32 @!p0 $0x88, s6;
	s7 =	simm.s32 @p2 $0x1082  }
0x22: {  	[simem:s7], [sflag:s8] =	dma.local @!p0 [hbm:s6], $0xF7A  }
0x23: {  	s9 =	sor.u32 $0xD0000000, s2;
	s6 =	simm.s32 $0x108;
	_ =	swait.ge @!p0 [sflag:s8], $0x0  }
0x24: {  	s3 =	sadd.s32 $0x88, s3;
	s6 =	simm.s32 @!p1 $0x1082;
	[sflag:s4] =	ssyncset.s32 $0xFFFFF086  }
0x25: {  	[simem:s6], [sflag:s4] =	dma.local [hbm:s3], $0xF7A  }
0x26: {  	[smem:$0x3FA0] =	sst s1;
	(tag) =	ssettag s2;
	_ =	strace s9  }
0x27: {  	s1 =	sld [smem:$0x3FB0]  }
0x28: {  	s2 =	sld [smem:$0x3FB1]  }
0x29: {  	s4 =	sld [smem:$0x3FB3]  }
0x2a: {  	p0 =	seq.s32 s5, $0x0;
	s5 =	sld [smem:$0x3FB4]  }
0x2b: {  	s6 =	sld [smem:$0x3FB5]  }
0x2c: {  	s7 =	sld [smem:$0x3FB6]  }
0x2d: {  	s3 =	simm.s32 $0x108;
	s8 =	sld [smem:$0x3FB7]  }
0x2e: {  	s3 =	simm.s32 @!p0 $0x1082;
	s9 =	sld [smem:$0x3FB8]  }
0x2f: {  	lr =	sadd.s32 s0, s3;
	s0 =	sld [smem:$0x3FAF]  }
0x30: {  	s3 =	sld [smem:$0x3FB2]  }
0x31: {  	[smem:$0x3FBB] =	sst s10  }
0x32: {  	s10 =	sld [smem:$0x3FB9];
	_ =	sdelay $0x3  }
0x33: {  	p0 =	seq.s32 s10, $0x1;
	s10 =	sld [smem:$0x3FBB];
	_ =	sdelay $0x3  }
0x34: {  	[smem:$0x3FBB] =	sst s10  }
0x35: {  	s10 =	sld [smem:$0x3FBA];
	_ =	sdelay $0x3  }
0x36: {  	p1 =	seq.s32 s10, $0x1;
	s10 =	sld [smem:$0x3FBB];
	_ =	sdelay $0x3  }
0x37: {  	[smem:$0x3FBB] =	sst s10  }
0x38: {  	s10 =	sld [smem:$0x3FBC]  }
0x39: {  	_ = 	snop;
	(pc) =	sbr.ind lr, $3  }
0x3a: {  	_ = 	snop  }
0x3b: {  	_ = 	snop  }
0x3c: {  	p2 =	seq.s32 s10, $0x1;
	s10 =	sld [smem:$0x3FBB]  }
0x3d: {  	_ =	shalt  }
0x3e: {  	_ =	shalt  }
0x3f: {  	_ =	shalt  }
0x40: {  	_ =	shalt  }
0x41: {  	_ =	shalt  }
0x42: {  	_ =	shalt  }
0x43: {  	_ =	shalt  }
0x44: {  	_ =	shalt  }
0x45: {  	_ =	shalt  }
0x46: {  	_ =	shalt  }
0x47: {  	_ =	shalt  }
0x48: {  	_ =	shalt  }
0x49: {  	_ =	shalt  }
0x4a: {  	_ =	shalt  }
0x4b: {  	_ =	shalt  }
0x4c: {  	_ =	shalt  }
0x4d: {  	_ =	shalt  }
0x4e: {  	_ =	shalt  }
0x4f: {  	_ =	shalt  }
0x50: {  	_ =	shalt  }
0x51: {  	_ =	shalt  }
0x52: {  	_ =	shalt  }
0x53: {  	_ =	shalt  }
0x54: {  	_ =	shalt  }
0x55: {  	_ =	shalt  }
0x56: {  	_ =	shalt  }
0x57: {  	_ =	shalt  }
0x58: {  	_ =	shalt  }
0x59: {  	_ =	shalt  }
0x5a: {  	_ =	shalt  }
0x5b: {  	_ =	shalt  }
0x5c: {  	_ =	shalt  }
0x5d: {  	_ =	shalt  }
0x5e: {  	_ =	shalt  }
0x5f: {  	_ =	shalt  }
0x60: {  	_ =	shalt  }
0x61: {  	_ =	shalt  }
0x62: {  	_ =	shalt  }
0x63: {  	_ =	shalt  }
0x64: {  	_ =	shalt  }
0x65: {  	_ =	shalt  }
0x66: {  	_ =	shalt  }
0x67: {  	_ =	shalt  }
0x68: {  	_ =	shalt  }
0x69: {  	_ =	shalt  }
0x6a: {  	_ =	shalt  }
0x6b: {  	_ =	shalt  }
0x6c: {  	_ =	shalt  }
0x6d: {  	_ =	shalt  }
0x6e: {  	_ =	shalt  }
0x6f: {  	_ =	shalt  }
0x70: {  	_ =	shalt  }
0x71: {  	_ =	shalt  }
0x72: {  	_ =	shalt  }
0x73: {  	_ =	shalt  }
0x74: {  	_ =	shalt  }
0x75: {  	_ =	shalt  }
0x76: {  	_ =	shalt  }
0x77: {  	_ =	shalt  }
0x78: {  	_ =	shalt  }
0x79: {  	_ =	shalt  }
0x7a: {  	_ =	shalt  }
0x7b: {  	_ =	shalt  }
0x7c: {  	_ =	shalt  }
0x7d: {  	_ =	shalt  }
0x7e: {  	_ =	shalt  }
0x7f: {  	_ =	shalt  }
0x80: {  	_ =	shalt  }
0x81: {  	_ =	shalt  }
0x82: {  	_ =	shalt  }
0x83: {  	_ =	shalt  }
0x84: {  	_ =	shalt  }
0x85: {  	_ =	shalt  }
0x86: {  	_ =	shalt  }
0x87: {  	_ =	shalt  }
.Lfunc_end0:
.L_simem_size_0:
called_computation_lowered:
.L_overlay_start_0:
0x88: {  	s0 =	sld [smem:$0x3FD9]  }
0x89: {  	s1 =	sld [smem:$0x3FFE];
	_ =	sdelay $0x3  }
0x8a: {  	s0 =	sadd.s32 s1, s0  }
0x8b: {  	[smem:$0x3FC7] =	sst s0  }
0x8c: {  	_ = 	snop  }
0x8d: {  	s0 =	sld [smem:$0x3FD0];
	(tm) =	ssettm $0x1  }
0x8e: {  	s16 =	sld [smem:$0x3FFB];
	_ =	sdelay $0x3  }
0x8f: {  	_ =	strace s16  }
0x90: {  	s1 =	sld [smem:$0x3FFC];
	_ =	sdelay $0x3  }
0x91: {  	_ =	strace s1  }
0x92: {  	s1 =	sld [smem:$0x3FFD];
	_ =	sdelay $0x3  }
0x93: {  	_ =	strace s1  }
0x94: {  	_ =	strace $0x8FFFFFFF  }
0x95: {  	s17 =	sld [smem:$0x3FDB];
	_ =	sdelay $0x1  }
0x96: {  	s2 =	simm.s32 $_scs_section_size  }
0x97: {  	s3 =	simm.s32 $_size__tile_overlayer_lowered;
	s4 =	simm.s32 $_tile_overlayer_lowered  }
0x98: {  	s20 =	simm.s32 $0x1BFF;
	s19 =	sshll.u32 s4, $0x1;
	s1 =	sadd.s32 s2, s17  }
0x99: {  	s5 =	simm.s32 $0x0;
	s18 =	sshll.u32 s3, $0x1;
	s3 =	sadd.s32 s19, s1  }
0x9a: {  	[timem:s5], [sflag:s20] =	dma.local [hbm:s3], s18  }
0x9b: {  	_ =	swait.ge [sflag:s20], s18  }
0x9c: {  	s2 =	ssub.s32 $0x0, s18;
	[sflag:s20] =	ssyncset.done $0x0  }
0x9d: {  	[sflag:s20] =	ssyncadd.s32 s2;
	_ =	sdelay $0x1  }
0x9e: {  	s21 =	simm.s32 $0x1B8B  }
0x9f: {  	_ =	swait.ge [sflag:s21], $0x1  }
0xa0: {  	[sflag:s21] =	ssyncset.done $0x0  }
0xa1: {  	s23 =	simm.s32 $0x1B8E;
	s22 =	sld [smem:$0x3FFE];
	[sflag:s21] =	ssyncadd.s32 $0xFFFFFFFF  }
0xa2: {  	s24 =	simm.s32 $execute0_lowered;
	[smem:$0x3FD2] =	sst s23  }
0xa3: {  	s3 =	sshll.u32 s24, $0x1;
	_ =	strace $0x80000046;
	[dreg:$0x1] =	wrdreg $0xFFFFFFFF  }
0xa4: {  	s25 =	simm.s32 $_size_execute0_lowered;
	s1 =	sadd.s32 s1, s3;
	[dreg:$0x0] =	wrdreg $0x0  }
0xa5: {  	s3 =	sshll.u32 s25, $0x1;
	[dreg:$0x2] =	wrdreg s1  }
0xa6: {  	[dreg:$0x3] =	wrdreg s3  }
0xa7: {  	[dreg:$0x4] =	wrdreg $0xC0  }
0xa8: {  	_ =	task [dreg:s5], $0x5FFFF  }
0xa9: {  	[dreg:$0x1] =	wrdreg $0xFFFFFFFF  }
0xaa: {  	[dreg:$0x0] =	wrdreg $0x60  }
0xab: {  	[dreg:$0x2] =	wrdreg s22  }
0xac: {  	[dreg:$0x3] =	wrdreg s0  }
0xad: {  	[dreg:$0x4] =	wrdreg $0x9  }
0xae: {  	_ =	task.clear_ibuf [dreg:s5], $0x5FFFF;
	_ =	strace $0x90000046  }
0xaf: {  	s26 =	simm.s32 $0x9;
	_ =	strace $0x80000048  }
0xb0: {  	_ =	swait.ge [sflag:s26], $0x1  }
0xb1: {  	[sflag:s26] =	ssyncadd.s32 $0xFFFFFFFF  }
0xb2: {  	_ =	strace $0x90000048  }
0xb3: {  	_ =	sfence  }
0xb4: {  	s28 =	sld [smem:$0x0];
	_ =	sdelay $0x1  }
0xb5: {  	s29 =	srdreg.scid  }
0xb6: {  	s30 =	sshll.u32 s29, $0xD;
	s31 =	sshrl.u32 s29, $0x2  }
0xb7: {  	s2 =	sand.u32 $0x4000, s30;
	s1 =	sand.u32 $0x1, s29;
	s0 =	sadd.s32 s31, s28  }
0xb8: {  	s1 =	sor.u32 s2, s1;
	s0 =	sshll.u32 s0, $0x11  }
0xb9: {  	s0 =	sor.u32 s0, s1  }
0xba: {  	s0 =	sadd.s32 $0x8F2B, s0  }
0xbb: {  	[sflag:s0] =	ssyncadd.remote.s32 $0x1  }
0xbc: {  	_ =	sfence.sel $0xFFFF  }
0xbd: {  	[dreg:$0x0] =	wrdreg $0xFFFFFFFF;
	(pc) =	sbr.abs _section_cstart, $3  }
0xbe: {  	[dreg:$0x1] =	wrdreg $0xFFFFFFFF  }
0xbf: {  	_ =	task.clear_ibuf [dreg:s5], $0x2FFFF;
	_ =	strace $0x9FFFFFFF  }
0xc0: {  	(tm) =	ssettm $0x7FFFFFFF  }
0xc1: {  	_ =	shalt  }
tec
execute0_lowered:
.L_overlay_start_1:
0x0: {  	(tag) =	ssettag $0x1  }
0x1: {  	s3 =	rddreg [dreg:$0x0]  }
0x2: {  	s2 =	rddreg [dreg:$0x1];
	s1 =	stileid.u32  }
0x3: {  	s0 =	rddreg [dreg:$0x2];
	s4 =	simm.s32 $0x0;
	s31 =	sshll.u32 s1, $0xC  }
0x4: {  	s5 =	simm.s32 $0x3C0;
	[smem:$0x7FF] =	sst s4;
	s3 =	sadd.s32 s31, s3  }
0x5: {  	v0 =	vimm.f32 $0.0e+00;
	s4 =	simm.s32 $0x70;
	_ =	strace $0x80000047;
	s3 =	sadd.s32 $0x400, s3  }
.LBB2_1:
0x6: {  	p0 =	sne.s32 s5, $0x9FC0;
	[tilespmem:s4+$0x8000] =	vst v0  }
0x7: {  	[tilespmem:s4+$0x7F90] =	vst v0  }
0x8: {  	[tilespmem:s4+$0x7FA0] =	vst v0  }
.Ltmp0:
0x9: {  	[tilespmem:s4+$0x7FB0] =	vst v0;
	(pc) =	sbr.rel @p0 .LBB2_1-.Ltmp0, $4  }
0xa: {  	[tilespmem:s4+$0x7FC0] =	vst v0  }
0xb: {  	[tilespmem:s4+$0x7FD0] =	vst v0  }
0xc: {  	[tilespmem:s4+$0x7FE0] =	vst v0  }
0xd: {  	[tilespmem:s4+$0x7FF0] =	vst v0;
	s4 =	sshra.s32 s5, $0x2;
	s5 =	sadd.s32 $0x200, s5  }
0xe: {  	[tilespmem:s4+$0x8000] =	vst v0  }
0xf: {  	[tilespmem:s4+$0x7F90] =	vst v0  }
0x10: {  	[tilespmem:s4+$0x7FA0] =	vst v0  }
0x11: {  	[tilespmem:s4+$0x7FB0] =	vst v0  }
0x12: {  	[tilespmem:s4+$0x7FC0] =	vst v0  }
0x13: {  	[tilespmem:s4+$0x7FD0] =	vst v0  }
0x14: {  	[tilespmem:s4+$0x7FE0] =	vst v0  }
0x15: {  	[tilespmem:s4+$0x7FF0] =	vst v0;
	s30 =	simm.s32 $0x0;
	s31 =	simm.s32 $0x1  }
0x16: {  	[tilespmem:s30], [sflag:$0x1] =	stream.linear.gather [hbm4b:s3+s30], $0x7D00, $0x38;
	[tilespmem:$0xA800] =	vst v63  }
0x17: {  	_ =	swait.ge [sflag:s31], $0x7D00  }
0x18: {  	[sflag:s31] =	ssyncset.done $0x0  }
0x19: {  	v0 =	vimm.f32 $1.000000000e+00;
	s4 =	simm.s32 $0x8000;
	s3 =	simm.s32 $0x100;
	[sflag:s31] =	ssyncadd.s32 $0xFFFF8300  }
.LBB2_3:
0x1a: {  	s5 =	sshra.s32 s3, $0x2  }
0x1b: {  	v1 =	vld [tilespmem:s5+$0xFFFFFFC0];
	_ =	sdelay $0x7  }
0x1c: {  	[tilespmem:v1+s4+$0x0] =	vst.idx.add.f32.msk $0xffff, v0  }
0x1d: {  	v1 =	vld [tilespmem:s5+$0xFFFFFFD0];
	_ =	sdelay $0x7  }
0x1e: {  	[tilespmem:v1+s4+$0x0] =	vst.idx.add.f32.msk $0xffff, v0  }
0x1f: {  	v1 =	vld [tilespmem:s5+$0xFFFFFFE0];
	_ =	sdelay $0x7  }
0x20: {  	[tilespmem:v1+s4+$0x0] =	vst.idx.add.f32.msk $0xffff, v0  }
0x21: {  	v1 =	vld [tilespmem:s5+$0xFFFFFFF0];
	_ =	sdelay $0x7  }
0x22: {  	[tilespmem:v1+s4+$0x0] =	vst.idx.add.f32.msk $0xffff, v0  }
0x23: {  	v1 =	vld [tilespmem:s5+$0x0];
	_ =	sdelay $0x2  }
0x24: {  	p0 =	sne.s32 s3, $0x1F300  }
.Ltmp1:
0x25: {  	_ = 	snop;
	(pc) =	sbr.rel @p0 .LBB2_3-.Ltmp1, $2  }
0x26: {  	_ =	sdelay $0x2  }
0x27: {  	s3 =	sadd.s32 $0x200, s3;
	[tilespmem:v1+s4+$0x0] =	vst.idx.add.f32.msk $0xffff, v0  }
0x28: {  	s3 =	smul.u32 $0x500, s1  }
0x29: {  	s30 =	simm.s32 $0x0  }
0x2a: {  	s4 =	simm.s32 $0x8000;
	s31 =	simm.s32 $0x1;
	s2 =	sadd.s32 s2, s3  }
0x2b: {  	[hbm4b:s2+s30] =	stream.linear.scatter [tilespmem:s4], [sflag:$0x1], $0x2800, $0x38;
	[tilespmem:$0xA800] =	vst v63  }
0x2c: {  	_ =	swait.ge [sflag:s31], $0x2800  }
0x2d: {  	[sflag:s31] =	ssyncset.done $0x0  }
0x2e: {  	[sflag:s31] =	ssyncadd.s32 $0xFFFFD800  }
0x2f: {  	_ =	sfence.sel $0x180000  }
0x30: {  	[bflag:$0x0] =	sbarrier.arrive $0xFFFF  }
0x31: {  	p0 =	sne.s32 s1, $0x0;
	_ =	strace $0x90000047  }
0x32: {  	s0 =	sadd.s32 @!p0 $0x100000, s0;
	[bflag:$0x2] =	sbarrier.arrive $0xFFFF  }
0x33: {  	[sflag:s0] =	ssyncadd.tile.s32 @!p0 $0x1;
	_ =	shalt  }
.Lfunc_end2:
_tile_overlayer_lowered:
.L_overlay_start_2:
0x34: {  	(tag) =	ssettag $0x2  }
0x35: {  	s0 =	rddreg [dreg:$0x0];
	s2 =	stileid.u32  }
0x36: {  	s1 =	rddreg [dreg:$0x1];
	p0 =	sne.s32 s2, $0x0  }
0x37: {  	s3 =	rddreg [dreg:$0x2];
	[bflag:$0x3] =	sbarrier.arrive $0xFFFF;
	s2 =	simm.s32 @!p0 $0x1C01  }
0x38: {  	[timem:s3], [sflag:s2] =	dma.local @!p0 [hbm:s0], s1  }
0x39: {  	s0 =	simm.s32 @!p0 $0x1  }
0x3a: {  	_ =	swait.ge @!p0 [sflag:s0], s1  }
0x3b: {  	s1 =	ssub.s32 @!p0 $0x0, s1;
	[sflag:s0] =	ssyncset.done @!p0 $0x0  }
0x3c: {  	[sflag:s0] =	ssyncadd.s32 @!p0 s1  }
0x3d: {  	[bflag:$0x3] =	sbarrier.arrive $0xFFFF  }
0x3e: {  	_ =	shalt  }

</sc_bundles>
